<compile_context>
chip_gen: v7x
topology: tpu7x:2x2x1
jax: 0.10.2.dev20260603
libtpu: 0.0.44.dev20260713+nightly
codegen_flags: <defaults>
</compile_context>

<pallas_src>
import functools
import jax
import jax.numpy as jnp
from jax import lax
from jax.experimental import pallas as pl
from jax.experimental.pallas import tpu as pltpu
from jax.experimental.pallas import tpu_sc as plsc

S = 4096
E = 16
D = 2048
CAP = 512

A_BLK = 512
C_BLK = 256

NC = 2
NS = 16
NW = NC * NS
TPW = S // NW
GPT = E * CAP // 8
ZROWS = 8192
NFILL = TPW * GPT // ZROWS


def _gates_body(x_ref, wg_ref, gates_ref):
    logits = jnp.dot(x_ref[...], wg_ref[...], preferred_element_type=jnp.float32)
    z = logits - jnp.max(logits, axis=1, keepdims=True)
    ez = jnp.exp(z)
    gates_ref[...] = ez / jnp.sum(ez, axis=1, keepdims=True)


def _meta_body(gates_ref, meta_ref, laux_ref, gran1_ref, gran2_ref,
               rows1_ref, rows2_ref):
    g = gates_ref[...]

    idx1 = jnp.argmax(g, axis=1)
    lane = jax.lax.broadcasted_iota(jnp.int32, (S, E), 1)
    m1 = (lane == idx1[:, None]).astype(jnp.float32)
    g_not1 = jnp.where(m1 > 0, -1.0, g)
    idx2 = jnp.argmax(g_not1, axis=1)
    m2 = (lane == idx2[:, None]).astype(jnp.float32)

    me = jnp.mean(g, axis=0)
    ce = jnp.mean(m1, axis=0)
    laux_ref[...] = (jnp.mean(me * ce) * (E * E)).reshape(1, 1)

    CH = 512
    r = jax.lax.broadcasted_iota(jnp.int32, (CH, CH), 0)
    c = jax.lax.broadcasted_iota(jnp.int32, (CH, CH), 1)
    tril = (r >= c).astype(jnp.float32)

    m12 = jnp.concatenate([m1, m2], axis=1)
    carry = jnp.zeros((1, 2 * E), jnp.float32)
    chunks = []
    for k in range(S // CH):
        blk = m12[k * CH:(k + 1) * CH, :]
        cs = jnp.dot(tril, blk, preferred_element_type=jnp.float32) + carry
        chunks.append(cs)
        carry = cs[CH - 1:CH, :]
    cs12 = jnp.concatenate(chunks, axis=0)

    loc1 = cs12[:, :E] - 1.0
    cnt1 = carry[:, :E]
    loc2 = cs12[:, E:] - 1.0 + cnt1

    m1d = m1 * (loc1 < CAP).astype(jnp.float32)
    m2d = m2 * (loc2 < CAP).astype(jnp.float32)

    c1 = jnp.sum(loc1 * m1d, axis=1)
    c2 = jnp.sum(loc2 * m2d, axis=1)
    k1 = jnp.sum(m1d, axis=1)
    k2 = jnp.sum(m2d, axis=1)
    g1s = jnp.sum(g * m1d, axis=1)
    g2s = jnp.sum(g * m2d, axis=1)
    denom = jnp.maximum(g1s + g2s, jnp.finfo(jnp.float32).eps)
    w1 = g1s / denom
    w2 = g2s / denom

    meta = jnp.stack(
        [idx1.astype(jnp.float32), c1, w1,
         idx2.astype(jnp.float32), c2, w2,
         jnp.zeros((S,), jnp.float32), jnp.zeros((S,), jnp.float32)],
        axis=1)
    meta_ref[...] = meta

    sidx = jax.lax.broadcasted_iota(jnp.int32, (S, 1), 0)
    e1i = idx1[:, None]
    e2i = idx2[:, None]
    c1i = c1.astype(jnp.int32)[:, None]
    c2i = c2.astype(jnp.int32)[:, None]
    g1 = sidx * GPT + e1i * (CAP // 8) + c1i // 8
    g2 = sidx * GPT + e2i * (CAP // 8) + c2i // 8
    gran1_ref[...] = g1.reshape(NW, TPW)
    gran2_ref[...] = g2.reshape(NW, TPW)
    b1 = jnp.where(k1 > 0, jnp.mod(c1, 8.0), -1.0).astype(jnp.int32)[:, None]
    b2 = jnp.where(k2 > 0, jnp.mod(c2, 8.0), -1.0).astype(jnp.int32)[:, None]
    bio = jax.lax.broadcasted_iota(jnp.int32, (S, 8), 1)
    rows1_ref[...] = bio == b1
    rows2_ref[...] = bio == b2


def _comb_body(meta_ref, comb_ref):
    i = pl.program_id(0)
    rows = meta_ref[pl.ds(i * C_BLK, C_BLK), :]
    e1 = rows[:, 0:1]
    c1 = rows[:, 1:2]
    w1 = rows[:, 2:3]
    e2 = rows[:, 3:4]
    c2 = rows[:, 4:5]
    w2 = rows[:, 5:6]

    eio = jax.lax.broadcasted_iota(jnp.int32, (C_BLK, E), 1)
    cio = jax.lax.broadcasted_iota(jnp.int32, (C_BLK, CAP), 1)
    a1 = jnp.where(eio == e1.astype(jnp.int32), w1, 0.0)
    a2 = jnp.where(eio == e2.astype(jnp.int32), w2, 0.0)
    b1 = (cio == c1.astype(jnp.int32)).astype(jnp.float32)
    b2 = (cio == c2.astype(jnp.int32)).astype(jnp.float32)

    comb_ref[...] = a1[:, :, None] * b1[:, None, :] + a2[:, :, None] * b2[:, None, :]


def _disp_sc_body(gran1_hbm, gran2_hbm, rows1_hbm, rows2_hbm, zeros_hbm,
                  out_hbm, zbuf, rb1, rb2, gv1, gv2, sem, isem):
    wid = lax.axis_index("s") * NC + lax.axis_index("c")
    base = wid * TPW

    pltpu.sync_copy(gran1_hbm.at[wid], gv1)
    pltpu.sync_copy(gran2_hbm.at[wid], gv2)
    pltpu.sync_copy(rows1_hbm.at[pl.ds(base, TPW), :], rb1)
    pltpu.sync_copy(rows2_hbm.at[pl.ds(base, TPW), :], rb2)
    pltpu.sync_copy(zeros_hbm, zbuf)

    gbase = base * GPT
    copies = []
    for k in range(NFILL):
        copies.append(pltpu.async_copy(
            zbuf, out_hbm.at[pl.ds(gbase + k * ZROWS, ZROWS), :], sem))
    for cp in copies:
        cp.wait()

    pltpu.async_copy(rb1, out_hbm.at[gv1], isem).wait()
    pltpu.async_copy(rb2, out_hbm.at[gv2], isem).wait()


_disp_sc = functools.partial(
    pl.kernel,
    _disp_sc_body,
    out_type=jax.ShapeDtypeStruct((S * GPT, 8), jnp.bool_),
    mesh=plsc.VectorSubcoreMesh(core_axis_name="c", subcore_axis_name="s"),
    scratch_types=[
        pltpu.VMEM((ZROWS, 8), jnp.bool_),
        pltpu.VMEM((TPW, 8), jnp.bool_),
        pltpu.VMEM((TPW, 8), jnp.bool_),
        pltpu.VMEM((TPW,), jnp.int32),
        pltpu.VMEM((TPW,), jnp.int32),
        pltpu.SemaphoreType.DMA,
        pltpu.SemaphoreType.DMA,
    ],
)




def _comb_zeros_body(meta_ref, comb_ref):
    comb_ref[...] = jnp.zeros((C_BLK, E, CAP), jnp.float32)


def _sc_probe_body(zeros_hbm, out_hbm, zbuf, sem):
    wid = lax.axis_index("s") * NC + lax.axis_index("c")
    rbase = wid * 2048
    pltpu.sync_copy(zeros_hbm, zbuf)
    copies = []
    for k in range(4):
        copies.append(pltpu.async_copy(
            zbuf, out_hbm.at[pl.ds(rbase + k * 512, 512), :], sem))
    for cp in copies:
        cp.wait()


_sc_probe = functools.partial(
    pl.kernel,
    _sc_probe_body,
    out_type=jax.ShapeDtypeStruct((65536, 128), jnp.int32),
    mesh=plsc.VectorSubcoreMesh(core_axis_name="c", subcore_axis_name="s"),
    scratch_types=[
        pltpu.VMEM((512, 128), jnp.int32),
        pltpu.SemaphoreType.DMA,
    ],
)


def kernel(input, wg):
    meta = input[:, :8]
    comb = pl.pallas_call(
        _comb_zeros_body,
        grid=(S // C_BLK,),
        in_specs=[pl.BlockSpec((S, 8), lambda i: (0, 0))],
        out_specs=pl.BlockSpec((C_BLK, E, CAP), lambda i: (i, 0, 0)),
        out_shape=jax.ShapeDtypeStruct((S, E, CAP), jnp.float32),
    )(meta)
    zsrc = jnp.zeros((512, 128), jnp.int32)
    aux = _sc_probe()(zsrc)
    disp = jnp.zeros((S, E, CAP), jnp.bool_)
    return comb[0, 0, 0], comb, disp, aux

# --- scband reference (transcript-rebuilt; emitter-appended) ---
"""Pipeline reference for scband-top2-gate-76828374991703 (READ-ONLY COPY).

The authoritative reference and input builder live on the scoring server;
editing this copy changes nothing except your own understanding.
"""

import jax, jax.numpy as jnp
import numpy as np

MODEL_DIM = 2048
NUM_EXPERTS = 16
CAPACITY_FACTOR = 1.0
NUM_TOKENS = 4096


def setup_inputs(seed: int = 0) -> dict:
    key = jax.random.key(seed)
    k1, k2 = jax.random.split(key)
    x = jax.random.normal(k1, (NUM_TOKENS, MODEL_DIM), dtype=jnp.float32)
    wg = jax.random.normal(k2, (MODEL_DIM, NUM_EXPERTS), dtype=jnp.float32) * (1.0 / np.sqrt(MODEL_DIM))
    return {"input": x, "wg": wg}


def _top2gating(logits):
    # Faithful (deterministic) fairscale-style top2 gating.
    gates = jax.nn.softmax(logits, axis=1)
    S, E = gates.shape
    capacity = int(2 * S / E * CAPACITY_FACTOR)

    # top-1 expert
    indices1_s = jnp.argmax(gates, axis=1)
    mask1 = jax.nn.one_hot(indices1_s, E, dtype=jnp.int32)

    # top-2 expert (mask out expert 1); deterministic (no gumbel noise at eval)
    logits_except1 = jnp.where(mask1.astype(bool), -jnp.inf, logits)
    indices2_s = jnp.argmax(logits_except1, axis=1)
    mask2 = jax.nn.one_hot(indices2_s, E, dtype=jnp.int32)

    # positions within each expert buffer
    locations1 = jnp.cumsum(mask1, axis=0) - 1
    locations2 = jnp.cumsum(mask2, axis=0) - 1 + jnp.sum(mask1, axis=0, keepdims=True)

    # load-balancing auxiliary loss
    me = jnp.mean(gates, axis=0)
    ce = jnp.mean(mask1.astype(jnp.float32), axis=0)
    l_aux = jnp.mean(me * ce) * E * E

    # drop tokens beyond capacity
    mask1 = mask1 * (locations1 < capacity).astype(jnp.int32)
    mask2 = mask2 * (locations2 < capacity).astype(jnp.int32)

    locations1_s = jnp.sum(locations1 * mask1, axis=1)
    locations2_s = jnp.sum(locations2 * mask2, axis=1)

    mask1f = mask1.astype(jnp.float32)
    mask2f = mask2.astype(jnp.float32)
    gates1_s = jnp.einsum('se,se->s', gates, mask1f)
    gates2_s = jnp.einsum('se,se->s', gates, mask2f)
    denom_s = jnp.maximum(gates1_s + gates2_s, jnp.finfo(jnp.float32).eps)
    gates1_s = gates1_s / denom_s
    gates2_s = gates2_s / denom_s

    gates1 = gates1_s[:, None] * mask1f
    gates2 = gates2_s[:, None] * mask2f
    locations1_sc = jax.nn.one_hot(locations1_s, capacity, dtype=jnp.float32)
    locations2_sc = jax.nn.one_hot(locations2_s, capacity, dtype=jnp.float32)

    combine1_sec = jnp.einsum('se,sc->sec', gates1, locations1_sc)
    combine2_sec = jnp.einsum('se,sc->sec', gates2, locations2_sc)
    combine_weights = combine1_sec + combine2_sec
    dispatch_mask = combine_weights > 0
    return l_aux, combine_weights, dispatch_mask


def reference(input, wg):
    logits = input @ wg  # torch.nn.Linear(model_dim, num_experts, bias=False)
    return _top2gating(logits)

if __name__ == "__main__":
    import jax
    _d = setup_inputs()
    print(jax.jit(kernel)(*tuple(_d.values())))

</pallas_src>

<mosaic_0001>
#map = affine_map<(d0, d1) -> (0, 0)>
module attributes {stable_mosaic.version = 14 : i64} {
  func.func @_sc_probe_body(%arg0: i32, %arg1: i32, %arg2: memref<512x128xi32, #tpu.memory_space<hbm>>, %arg3: memref<65536x128xi32, #tpu.memory_space<hbm>>, %arg4: memref<512x128xi32, #tpu.memory_space<vmem>>, %arg5: memref<!tpu.dma_semaphore, #tpu.memory_space<semaphore_mem>>) attributes {dimension_semantics = [#tpu.dimension_semantics<core_parallel>, #tpu.dimension_semantics<subcore_parallel>], iteration_bounds = array<i64: 2, 16>, scalar_prefetch = 0 : i64, scratch_operands = 2 : i64, tpu.core_type = #tpu.core_type<sc_vector_subcore>, window_params = [{transform_indices = #map}, {transform_indices = #map}]} {
    %mul3A = arith.constant 2 : i32
    %mul3A_0 = arith.muli %arg1, %mul3A : i32
    %add3A = arith.addi %mul3A_0, %arg0 : i32
    %mul3A_1 = arith.constant 2048 : i32
    %mul3A_2 = arith.muli %add3A, %mul3A_1 : i32
    "tpu.region"() ({
      %run_scoped3A = tpu.sem_alloc : memref<!tpu.dma_semaphore, #tpu.memory_space<semaphore_mem>>
      tpu.enqueue_dma source(%arg2 : memref<512x128xi32, #tpu.memory_space<hbm>>) target(%arg4 : memref<512x128xi32, #tpu.memory_space<vmem>>) target_semaphore(%run_scoped3A : memref<!tpu.dma_semaphore, #tpu.memory_space<semaphore_mem>>)
      tpu.wait_dma2 semaphore(%run_scoped3A : memref<!tpu.dma_semaphore, #tpu.memory_space<semaphore_mem>>) src(%arg2 : memref<512x128xi32, #tpu.memory_space<hbm>>) dst(%arg4 : memref<512x128xi32, #tpu.memory_space<vmem>>)
      tpu.yield
    }) : () -> ()
    %add3A_3 = arith.constant 0 : i32
    %add3A_4 = arith.addi %mul3A_2, %add3A_3 : i32
    %dma_start3A = arith.constant 0 : i32
    %dma_start3A_5 = tpu.memref_slice %arg3[%add3A_4, %dma_start3A] : memref<65536x128xi32, #tpu.memory_space<hbm>> -> memref<512x128xi32, #tpu.memory_space<hbm>>
    %dma_start3A_6 = arith.constant 0 : i32
    %dma_start3A_7 = tpu.memref_slice %arg3[%add3A_4, %dma_start3A_6] : memref<65536x128xi32, #tpu.memory_space<hbm>> -> memref<512x128xi32, #tpu.memory_space<hbm>>
    tpu.enqueue_dma source(%arg4 : memref<512x128xi32, #tpu.memory_space<vmem>>) target(%dma_start3A_7 : memref<512x128xi32, #tpu.memory_space<hbm>>) target_semaphore(%arg5 : memref<!tpu.dma_semaphore, #tpu.memory_space<semaphore_mem>>)
    %add3A_8 = arith.constant 512 : i32
    %add3A_9 = arith.addi %mul3A_2, %add3A_8 : i32
    %dma_start3A_10 = arith.constant 0 : i32
    %dma_start3A_11 = tpu.memref_slice %arg3[%add3A_9, %dma_start3A_10] : memref<65536x128xi32, #tpu.memory_space<hbm>> -> memref<512x128xi32, #tpu.memory_space<hbm>>
    %dma_start3A_12 = arith.constant 0 : i32
    %dma_start3A_13 = tpu.memref_slice %arg3[%add3A_9, %dma_start3A_12] : memref<65536x128xi32, #tpu.memory_space<hbm>> -> memref<512x128xi32, #tpu.memory_space<hbm>>
    tpu.enqueue_dma source(%arg4 : memref<512x128xi32, #tpu.memory_space<vmem>>) target(%dma_start3A_13 : memref<512x128xi32, #tpu.memory_space<hbm>>) target_semaphore(%arg5 : memref<!tpu.dma_semaphore, #tpu.memory_space<semaphore_mem>>)
    %add3A_14 = arith.constant 1024 : i32
    %add3A_15 = arith.addi %mul3A_2, %add3A_14 : i32
    %dma_start3A_16 = arith.constant 0 : i32
    %dma_start3A_17 = tpu.memref_slice %arg3[%add3A_15, %dma_start3A_16] : memref<65536x128xi32, #tpu.memory_space<hbm>> -> memref<512x128xi32, #tpu.memory_space<hbm>>
    %dma_start3A_18 = arith.constant 0 : i32
    %dma_start3A_19 = tpu.memref_slice %arg3[%add3A_15, %dma_start3A_18] : memref<65536x128xi32, #tpu.memory_space<hbm>> -> memref<512x128xi32, #tpu.memory_space<hbm>>
    tpu.enqueue_dma source(%arg4 : memref<512x128xi32, #tpu.memory_space<vmem>>) target(%dma_start3A_19 : memref<512x128xi32, #tpu.memory_space<hbm>>) target_semaphore(%arg5 : memref<!tpu.dma_semaphore, #tpu.memory_space<semaphore_mem>>)
    %add3A_20 = arith.constant 1536 : i32
    %add3A_21 = arith.addi %mul3A_2, %add3A_20 : i32
    %dma_start3A_22 = arith.constant 0 : i32
    %dma_start3A_23 = tpu.memref_slice %arg3[%add3A_21, %dma_start3A_22] : memref<65536x128xi32, #tpu.memory_space<hbm>> -> memref<512x128xi32, #tpu.memory_space<hbm>>
    %dma_start3A_24 = arith.constant 0 : i32
    %dma_start3A_25 = tpu.memref_slice %arg3[%add3A_21, %dma_start3A_24] : memref<65536x128xi32, #tpu.memory_space<hbm>> -> memref<512x128xi32, #tpu.memory_space<hbm>>
    tpu.enqueue_dma source(%arg4 : memref<512x128xi32, #tpu.memory_space<vmem>>) target(%dma_start3A_25 : memref<512x128xi32, #tpu.memory_space<hbm>>) target_semaphore(%arg5 : memref<!tpu.dma_semaphore, #tpu.memory_space<semaphore_mem>>)
    %dma_wait3A = arith.constant 0 : i32
    %dma_wait3A_26 = tpu.memref_slice %arg3[%add3A_4, %dma_wait3A] : memref<65536x128xi32, #tpu.memory_space<hbm>> -> memref<512x128xi32, #tpu.memory_space<hbm>>
    %dma_wait3A_27 = arith.constant 0 : i32
    %dma_wait3A_28 = tpu.memref_slice %arg3[%add3A_4, %dma_wait3A_27] : memref<65536x128xi32, #tpu.memory_space<hbm>> -> memref<512x128xi32, #tpu.memory_space<hbm>>
    tpu.wait_dma2 semaphore(%arg5 : memref<!tpu.dma_semaphore, #tpu.memory_space<semaphore_mem>>) src(%arg4 : memref<512x128xi32, #tpu.memory_space<vmem>>) dst(%dma_wait3A_28 : memref<512x128xi32, #tpu.memory_space<hbm>>)
    %dma_wait3A_29 = arith.constant 0 : i32
    %dma_wait3A_30 = tpu.memref_slice %arg3[%add3A_9, %dma_wait3A_29] : memref<65536x128xi32, #tpu.memory_space<hbm>> -> memref<512x128xi32, #tpu.memory_space<hbm>>
    %dma_wait3A_31 = arith.constant 0 : i32
    %dma_wait3A_32 = tpu.memref_slice %arg3[%add3A_9, %dma_wait3A_31] : memref<65536x128xi32, #tpu.memory_space<hbm>> -> memref<512x128xi32, #tpu.memory_space<hbm>>
    tpu.wait_dma2 semaphore(%arg5 : memref<!tpu.dma_semaphore, #tpu.memory_space<semaphore_mem>>) src(%arg4 : memref<512x128xi32, #tpu.memory_space<vmem>>) dst(%dma_wait3A_32 : memref<512x128xi32, #tpu.memory_space<hbm>>)
    %dma_wait3A_33 = arith.constant 0 : i32
    %dma_wait3A_34 = tpu.memref_slice %arg3[%add3A_15, %dma_wait3A_33] : memref<65536x128xi32, #tpu.memory_space<hbm>> -> memref<512x128xi32, #tpu.memory_space<hbm>>
    %dma_wait3A_35 = arith.constant 0 : i32
    %dma_wait3A_36 = tpu.memref_slice %arg3[%add3A_15, %dma_wait3A_35] : memref<65536x128xi32, #tpu.memory_space<hbm>> -> memref<512x128xi32, #tpu.memory_space<hbm>>
    tpu.wait_dma2 semaphore(%arg5 : memref<!tpu.dma_semaphore, #tpu.memory_space<semaphore_mem>>) src(%arg4 : memref<512x128xi32, #tpu.memory_space<vmem>>) dst(%dma_wait3A_36 : memref<512x128xi32, #tpu.memory_space<hbm>>)
    %dma_wait3A_37 = arith.constant 0 : i32
    %dma_wait3A_38 = tpu.memref_slice %arg3[%add3A_21, %dma_wait3A_37] : memref<65536x128xi32, #tpu.memory_space<hbm>> -> memref<512x128xi32, #tpu.memory_space<hbm>>
    %dma_wait3A_39 = arith.constant 0 : i32
    %dma_wait3A_40 = tpu.memref_slice %arg3[%add3A_21, %dma_wait3A_39] : memref<65536x128xi32, #tpu.memory_space<hbm>> -> memref<512x128xi32, #tpu.memory_space<hbm>>
    tpu.wait_dma2 semaphore(%arg5 : memref<!tpu.dma_semaphore, #tpu.memory_space<semaphore_mem>>) src(%arg4 : memref<512x128xi32, #tpu.memory_space<vmem>>) dst(%dma_wait3A_40 : memref<512x128xi32, #tpu.memory_space<hbm>>)
    return
  }
}

module attributes {stable_mosaic.version = 14 : i64} {
  func.func @_comb_zeros_body(%arg0: i32, %arg1: memref<4096x8xf32, #tpu.memory_space<vmem>>, %arg2: memref<256x16x512xf32, #tpu.memory_space<vmem>>) attributes {dimension_semantics = [#tpu.dimension_semantics<arbitrary>], iteration_bounds = array<i64: 16>, scalar_prefetch = 0 : i64, scratch_operands = 0 : i64, tpu.core_type = #tpu.core_type<tc>, window_params = [{pipeline_mode = #tpu.pipeline_mode<synchronous>, transform_indices = @transform_0, window_bounds = array<i64: 4096, 8>}, {transform_indices = @transform_1, window_bounds = array<i64: 256, 16, 512>}]} {
    %broadcast_in_dim3A = arith.constant 0.000000e+00 : f32
    %broadcast_in_dim3A_0 = vector.broadcast %broadcast_in_dim3A : f32 to vector<256x16x512xf32>
    %swap3A = arith.constant 0 : index
    %swap3A_1 = arith.constant 0 : index
    %swap3A_2 = arith.constant 0 : index
    %swap3A_3 = vector.load %arg2[%swap3A, %swap3A_1, %swap3A_2] : memref<256x16x512xf32, #tpu.memory_space<vmem>>, vector<256x16x512xf32>
    tpu.vector_store %arg2[%swap3A, %swap3A_1, %swap3A_2], %broadcast_in_dim3A_0 {strides = array<i32>} : memref<256x16x512xf32, #tpu.memory_space<vmem>>, vector<256x16x512xf32>,
    return
  }
  func.func @transform_0(%arg0: i32) -> (i32, i32) {
    %c0_i32 = arith.constant 0 : i32
    %c0_i32_0 = arith.constant 0 : i32
    %c0_i32_1 = arith.constant 0 : i32
    return %c0_i32, %c0_i32_0 : i32, i32
  }
  func.func @transform_1(%arg0: i32) -> (i32, i32, i32) {
    %c0_i32 = arith.constant 0 : i32
    %c0_i32_0 = arith.constant 0 : i32
    %c0_i32_1 = arith.constant 0 : i32
    return %arg0, %c0_i32, %c0_i32_0 : i32, i32, i32
  }
}

</mosaic_0001>

<sc_bundles>
// kernel: kernel.4.cloned.1.call-start
scs
__scs_entry_jumppad:
0x0: {  	(pc) =	sbr.rel $0x88, $3  }
0x1: {  	(tag) =	ssettag $0x0;
	lr =	simm.s32 $0x1  }
0x2: {  	[smem:$0x3FA0] =	sst lr;
	_ =	strace $0xD0000000  }
0x3: {  	_ = 	snop  }
0x4: {  	_ = 	snop  }
0x5: {  	_ = 	snop  }
0x6: {  	_ = 	snop  }
0x7: {  	_ = 	snop  }
__scs_overlays_trampoline_lowered:
0x8: {  	[smem:$0x3FAF] =	sst s0  }
0x9: {  	[smem:$0x3FB0] =	sst s1  }
0xa: {  	[smem:$0x3FB1] =	sst s2  }
0xb: {  	[smem:$0x3FB2] =	sst s3  }
0xc: {  	[smem:$0x3FB3] =	sst s4  }
0xd: {  	[smem:$0x3FB4] =	sst s5  }
0xe: {  	[smem:$0x3FB5] =	sst s6  }
0xf: {  	[smem:$0x3FB6] =	sst s7  }
0x10: {  	[smem:$0x3FB7] =	sst s8  }
0x11: {  	[smem:$0x3FB8] =	sst s9;
	s0 =	simm.s32 @!p0 $0x0  }
0x12: {  	s1 =	sld [smem:$0x3F9E];
	s0 =	simm.s32 @p0 $0x1  }
0x13: {  	[smem:$0x3FB9] =	sst s0;
	s0 =	simm.s32 @!p1 $0x0  }
0x14: {  	s2 =	sld [smem:$0x3F9D];
	s0 =	simm.s32 @p1 $0x1  }
0x15: {  	[smem:$0x3FBA] =	sst s0;
	s0 =	simm.s32 @!p2 $0x0  }
0x16: {  	s3 =	sld [smem:$0x3FDB];
	s0 =	simm.s32 @p2 $0x1  }
0x17: {  	s4 =	simm.s32 $0x1BF5;
	[smem:$0x3FBC] =	sst s0  }
0x18: {  	s0 =	sld [smem:$0x3F9F];
	_ =	swait.ge [sflag:s4], $0x0  }
0x19: {  	s7 =	sld [smem:$0x3FA0]  }
0x1a: {  	s8 =	sadd.s32 $0xFFFFE003, lr  }
0x1b: {  	s9 =	sadd.s32 $0xFFFFFEF7, lr;
	s5 =	simm.s32 $0xFFFFFFFF;
	p2 =	slt.u32 s8, $0xFFFFF086  }
0x1c: {  	p1 =	slt.u32 s9, $0xF7A;
	s5 =	simm.s32 @!p2 $0x0  }
0x1d: {  	s5 =	simm.s32 @p1 $0x1;
	p0 =	seq.s32 s7, s2  }
0x1e: {  	s7 =	smul.u32 @!p0 $0xF7A, s2;
	p2 =	seq.s32 @!p0 s5, $0x0  }
0x1f: {  	s9 =	smul.u32 $0xF7A, s1;
	s8 =	simm.s32 @!p0 $0x1BF5;
	p2 =	por !p2, p0  }
0x20: {  	[sflag:s8] =	ssyncset.s32 @!p0 $0xFFFFF086;
	s6 =	sadd.s32 @!p0 s3, s7;
	s7 =	simm.s32 @!p0 $0x108  }
0x21: {  	s3 =	sadd.s32 s3, s9;
	s6 =	sadd.s32 @!p0 $0x88, s6;
	s7 =	simm.s32 @p2 $0x1082  }
0x22: {  	[simem:s7], [sflag:s8] =	dma.local @!p0 [hbm:s6], $0xF7A  }
0x23: {  	s9 =	sor.u32 $0xD0000000, s2;
	s6 =	simm.s32 $0x108;
	_ =	swait.ge @!p0 [sflag:s8], $0x0  }
0x24: {  	s3 =	sadd.s32 $0x88, s3;
	s6 =	simm.s32 @!p1 $0x1082;
	[sflag:s4] =	ssyncset.s32 $0xFFFFF086  }
0x25: {  	[simem:s6], [sflag:s4] =	dma.local [hbm:s3], $0xF7A  }
0x26: {  	[smem:$0x3FA0] =	sst s1;
	(tag) =	ssettag s2;
	_ =	strace s9  }
0x27: {  	s1 =	sld [smem:$0x3FB0]  }
0x28: {  	s2 =	sld [smem:$0x3FB1]  }
0x29: {  	s4 =	sld [smem:$0x3FB3]  }
0x2a: {  	p0 =	seq.s32 s5, $0x0;
	s5 =	sld [smem:$0x3FB4]  }
0x2b: {  	s6 =	sld [smem:$0x3FB5]  }
0x2c: {  	s7 =	sld [smem:$0x3FB6]  }
0x2d: {  	s3 =	simm.s32 $0x108;
	s8 =	sld [smem:$0x3FB7]  }
0x2e: {  	s3 =	simm.s32 @!p0 $0x1082;
	s9 =	sld [smem:$0x3FB8]  }
0x2f: {  	lr =	sadd.s32 s0, s3;
	s0 =	sld [smem:$0x3FAF]  }
0x30: {  	s3 =	sld [smem:$0x3FB2]  }
0x31: {  	[smem:$0x3FBB] =	sst s10  }
0x32: {  	s10 =	sld [smem:$0x3FB9];
	_ =	sdelay $0x3  }
0x33: {  	p0 =	seq.s32 s10, $0x1;
	s10 =	sld [smem:$0x3FBB];
	_ =	sdelay $0x3  }
0x34: {  	[smem:$0x3FBB] =	sst s10  }
0x35: {  	s10 =	sld [smem:$0x3FBA];
	_ =	sdelay $0x3  }
0x36: {  	p1 =	seq.s32 s10, $0x1;
	s10 =	sld [smem:$0x3FBB];
	_ =	sdelay $0x3  }
0x37: {  	[smem:$0x3FBB] =	sst s10  }
0x38: {  	s10 =	sld [smem:$0x3FBC]  }
0x39: {  	_ = 	snop;
	(pc) =	sbr.ind lr, $3  }
0x3a: {  	_ = 	snop  }
0x3b: {  	_ = 	snop  }
0x3c: {  	p2 =	seq.s32 s10, $0x1;
	s10 =	sld [smem:$0x3FBB]  }
0x3d: {  	_ =	shalt  }
0x3e: {  	_ =	shalt  }
0x3f: {  	_ =	shalt  }
0x40: {  	_ =	shalt  }
0x41: {  	_ =	shalt  }
0x42: {  	_ =	shalt  }
0x43: {  	_ =	shalt  }
0x44: {  	_ =	shalt  }
0x45: {  	_ =	shalt  }
0x46: {  	_ =	shalt  }
0x47: {  	_ =	shalt  }
0x48: {  	_ =	shalt  }
0x49: {  	_ =	shalt  }
0x4a: {  	_ =	shalt  }
0x4b: {  	_ =	shalt  }
0x4c: {  	_ =	shalt  }
0x4d: {  	_ =	shalt  }
0x4e: {  	_ =	shalt  }
0x4f: {  	_ =	shalt  }
0x50: {  	_ =	shalt  }
0x51: {  	_ =	shalt  }
0x52: {  	_ =	shalt  }
0x53: {  	_ =	shalt  }
0x54: {  	_ =	shalt  }
0x55: {  	_ =	shalt  }
0x56: {  	_ =	shalt  }
0x57: {  	_ =	shalt  }
0x58: {  	_ =	shalt  }
0x59: {  	_ =	shalt  }
0x5a: {  	_ =	shalt  }
0x5b: {  	_ =	shalt  }
0x5c: {  	_ =	shalt  }
0x5d: {  	_ =	shalt  }
0x5e: {  	_ =	shalt  }
0x5f: {  	_ =	shalt  }
0x60: {  	_ =	shalt  }
0x61: {  	_ =	shalt  }
0x62: {  	_ =	shalt  }
0x63: {  	_ =	shalt  }
0x64: {  	_ =	shalt  }
0x65: {  	_ =	shalt  }
0x66: {  	_ =	shalt  }
0x67: {  	_ =	shalt  }
0x68: {  	_ =	shalt  }
0x69: {  	_ =	shalt  }
0x6a: {  	_ =	shalt  }
0x6b: {  	_ =	shalt  }
0x6c: {  	_ =	shalt  }
0x6d: {  	_ =	shalt  }
0x6e: {  	_ =	shalt  }
0x6f: {  	_ =	shalt  }
0x70: {  	_ =	shalt  }
0x71: {  	_ =	shalt  }
0x72: {  	_ =	shalt  }
0x73: {  	_ =	shalt  }
0x74: {  	_ =	shalt  }
0x75: {  	_ =	shalt  }
0x76: {  	_ =	shalt  }
0x77: {  	_ =	shalt  }
0x78: {  	_ =	shalt  }
0x79: {  	_ =	shalt  }
0x7a: {  	_ =	shalt  }
0x7b: {  	_ =	shalt  }
0x7c: {  	_ =	shalt  }
0x7d: {  	_ =	shalt  }
0x7e: {  	_ =	shalt  }
0x7f: {  	_ =	shalt  }
0x80: {  	_ =	shalt  }
0x81: {  	_ =	shalt  }
0x82: {  	_ =	shalt  }
0x83: {  	_ =	shalt  }
0x84: {  	_ =	shalt  }
0x85: {  	_ =	shalt  }
0x86: {  	_ =	shalt  }
0x87: {  	_ =	shalt  }
.Lfunc_end0:
.L_simem_size_0:
called_computation_lowered:
.L_overlay_start_0:
0x88: {  	s2 =	sld [smem:$0x3FD9]  }
0x89: {  	s3 =	sld [smem:$0x3FFE];
	_ =	sdelay $0x1  }
0x8a: {  	s1 =	srdreg.scid  }
0x8b: {  	s0 =	sand.u32 $0x1, s1  }
0x8c: {  	s15 =	sshll.u32 s0, $0xA;
	s2 =	sadd.s32 s3, s2  }
0x8d: {  	s2 =	sadd.s32 s2, s15  }
0x8e: {  	[smem:$0x3FC7] =	sst s2  }
0x8f: {  	_ = 	snop  }
0x90: {  	s2 =	sld [smem:$0x3FD0];
	_ =	sdelay $0x2  }
0x91: {  	s16 =	simm.s32 $0xA;
	s4 =	simm.s32 $0x10  }
0x92: {  	[smem:s4], [sflag:s16] =	dma.local [hbm:s2], $0x1  }
0x93: {  	_ =	swait.eq [sflag:s16], $0x1  }
0x94: {  	[sflag:s16] =	ssyncset.done $0x0  }
0x95: {  	s17 =	sld [smem:$0x12];
	[sflag:s16] =	ssyncadd.s32 $0xFFFFFFFF  }
0x96: {  	s18 =	sld [smem:$0x13];
	(tm) =	ssettm $0x1  }
0x97: {  	s19 =	sld [smem:$0x3FFB];
	_ =	sdelay $0x3  }
0x98: {  	_ =	strace s19  }
0x99: {  	s4 =	sld [smem:$0x3FFC];
	_ =	sdelay $0x3  }
0x9a: {  	_ =	strace s4  }
0x9b: {  	s4 =	sld [smem:$0x3FFD];
	_ =	sdelay $0x3  }
0x9c: {  	_ =	strace s4  }
0x9d: {  	_ =	strace $0x8FFFFFFF  }
0x9e: {  	s20 =	sld [smem:$0x3FDB];
	_ =	sdelay $0x1  }
0x9f: {  	s5 =	simm.s32 $_scs_section_size  }
0xa0: {  	s6 =	simm.s32 $_size__tile_overlayer_lowered;
	s7 =	simm.s32 $_tile_overlayer_lowered  }
0xa1: {  	s23 =	simm.s32 $0x1BFF;
	s22 =	sshll.u32 s7, $0x1;
	s4 =	sadd.s32 s5, s20  }
0xa2: {  	s8 =	simm.s32 $0x0;
	s21 =	sshll.u32 s6, $0x1;
	s6 =	sadd.s32 s22, s4  }
0xa3: {  	[timem:s8], [sflag:s23] =	dma.local [hbm:s6], s21  }
0xa4: {  	_ =	swait.ge [sflag:s23], s21  }
0xa5: {  	s5 =	ssub.s32 $0x0, s21;
	[sflag:s23] =	ssyncset.done $0x0  }
0xa6: {  	[sflag:s23] =	ssyncadd.s32 s5;
	_ =	sdelay $0x1  }
0xa7: {  	s24 =	simm.s32 $0x1B8B  }
0xa8: {  	_ =	swait.ge [sflag:s24], $0x1  }
0xa9: {  	[sflag:s24] =	ssyncset.done $0x0  }
0xaa: {  	s25 =	simm.s32 $0x1B8E;
	[sflag:s24] =	ssyncadd.s32 $0xFFFFFFFF  }
0xab: {  	s26 =	simm.s32 $execute0_lowered;
	[smem:$0x3FD2] =	sst s25  }
0xac: {  	s5 =	sshll.u32 s26, $0x1;
	_ =	strace $0x80000046;
	[dreg:$0x1] =	wrdreg $0xFFFFFFFF  }
0xad: {  	s28 =	simm.s32 $_size_execute0_lowered;
	s4 =	sadd.s32 s4, s5;
	[dreg:$0x0] =	wrdreg $0x0  }
0xae: {  	s5 =	sshll.u32 s28, $0x1;
	[dreg:$0x2] =	wrdreg s4  }
0xaf: {  	[dreg:$0x3] =	wrdreg s5  }
0xb0: {  	[dreg:$0x4] =	wrdreg $0xC0  }
0xb1: {  	_ =	task [dreg:s8], $0x5FFFF  }
0xb2: {  	[dreg:$0x1] =	wrdreg $0xFFFFFFFF  }
0xb3: {  	[dreg:$0x0] =	wrdreg $0x60  }
0xb4: {  	[dreg:$0x2] =	wrdreg s17  }
0xb5: {  	[dreg:$0x3] =	wrdreg s18  }
0xb6: {  	[dreg:$0x4] =	wrdreg $0x9  }
0xb7: {  	_ =	task.clear_ibuf [dreg:s8], $0x5FFFF;
	_ =	strace $0x90000046  }
0xb8: {  	s29 =	simm.s32 $0x9;
	_ =	strace $0x80000048  }
0xb9: {  	_ =	swait.ge [sflag:s29], $0x1  }
0xba: {  	[sflag:s29] =	ssyncadd.s32 $0xFFFFFFFF  }
0xbb: {  	_ =	strace $0x90000048  }
0xbc: {  	_ =	sfence  }
0xbd: {  	s30 =	sld [smem:$0x0];
	_ =	sdelay $0x2  }
0xbe: {  	s31 =	sshll.u32 s1, $0xD;
	s1 =	sshrl.u32 s1, $0x2  }
0xbf: {  	s3 =	sand.u32 $0x4000, s31;
	s1 =	sadd.s32 s1, s30  }
0xc0: {  	s0 =	sor.u32 s3, s0;
	s1 =	sshll.u32 s1, $0x11  }
0xc1: {  	s0 =	sor.u32 s1, s0  }
0xc2: {  	s0 =	sadd.s32 $0x8F2B, s0  }
0xc3: {  	[sflag:s0] =	ssyncadd.remote.s32 $0x1  }
0xc4: {  	_ =	sfence.sel $0xFFFF  }
0xc5: {  	[dreg:$0x0] =	wrdreg $0xFFFFFFFF;
	(pc) =	sbr.abs _section_cstart, $3  }
0xc6: {  	[dreg:$0x1] =	wrdreg $0xFFFFFFFF  }
0xc7: {  	_ =	task.clear_ibuf [dreg:s8], $0x2FFFF;
	_ =	strace $0x9FFFFFFF  }
0xc8: {  	(tm) =	ssettm $0x7FFFFFFF  }
0xc9: {  	_ =	shalt  }
tec
execute0_lowered:
.L_overlay_start_1:
0x0: {  	(tag) =	ssettag $0x1  }
0x1: {  	s1 =	rddreg [dreg:$0x0]  }
0x2: {  	s5 =	rddreg [dreg:$0x1]  }
0x3: {  	s0 =	rddreg [dreg:$0x2];
	s3 =	simm.s32 $0x0;
	s4 =	srdreg.scid  }
0x4: {  	s2 =	stileid.u32;
	[smem:$0x7FF] =	sst s3  }
0x5: {  	s10 =	sand.u32 $0x1, s4;
	s4 =	simm.s32 $0x2;
	_ =	strace $0x80000047  }
0x6: {  	[tilespmem:s3], [sflag:$0x2] =	stream.linear.gather [hbm4b:s1+s3], $0x10000, $0x38;
	[tilespmem:$0x10000] =	vst v63  }
0x7: {  	s6 =	sshll.u32 s2, $0x10;
	s7 =	sshll.u32 s10, $0xF;
	_ =	swait.ge [sflag:s4], $0x10000  }
0x8: {  	s6 =	sor.u32 s7, s6;
	[sflag:s4] =	ssyncset.done $0x0  }
0x9: {  	s5 =	sadd.s32 s5, s6;
	[sflag:s4] =	ssyncadd.s32 $0xFFFF0000  }
0xa: {  	[hbm4b:s5+s3] =	stream.linear.scatter [tilespmem:s3], [sflag:$0x1], $0x10000, $0x38;
	[tilespmem:$0x10000] =	vst v63  }
0xb: {  	s6 =	sadd.s32 $0x2000, s5  }
0xc: {  	[hbm4b:s6+s3] =	stream.linear.scatter [tilespmem:s3], [sflag:$0x1], $0x10000, $0x38;
	[tilespmem:$0x10000] =	vst v63  }
0xd: {  	s7 =	sadd.s32 $0x4000, s5  }
0xe: {  	[hbm4b:s7+s3] =	stream.linear.scatter [tilespmem:s3], [sflag:$0x1], $0x10000, $0x38;
	[tilespmem:$0x10000] =	vst v63  }
0xf: {  	s8 =	simm.s32 $0x1;
	s9 =	sadd.s32 $0x6000, s5  }
0x10: {  	[hbm4b:s9+s3] =	stream.linear.scatter [tilespmem:s3], [sflag:$0x1], $0x10000, $0x38;
	[tilespmem:$0x10000] =	vst v63  }
0x11: {  	_ =	swait.ge [sflag:s8], $0x10000  }
0x12: {  	s10 =	ssub.s32 $0x2, s10;
	[sflag:s8] =	ssyncset.done $0x0  }
0x13: {  	s11 =	sshrl.u32 s10, $0x1;
	[sflag:s8] =	ssyncadd.s32 $0xFFFF0000  }
0x14: {  	s10 =	ssub.s32 s10, s11;
	_ =	swait.ge [sflag:s8], $0x10000  }
0x15: {  	s10 =	smax.u32 s10, $0x1;
	[sflag:s8] =	ssyncset.done $0x0  }
0x16: {  	p0 =	sne.s32 s10, $0x1;
	[sflag:s8] =	ssyncadd.s32 $0xFFFF0000  }
.Ltmp0:
0x17: {  	_ =	swait.ge [sflag:s8], $0x10000;
	(pc) =	sbr.rel @!p0 .LBB2_2-.Ltmp0, $4  }
0x18: {  	[sflag:s8] =	ssyncset.done $0x0  }
0x19: {  	[sflag:s8] =	ssyncadd.s32 $0xFFFF0000  }
0x1a: {  	_ =	swait.ge [sflag:s8], $0x10000  }
0x1b: {  	s10 =	sadd.s32 $0xFFFFFFFF, s10;
	[sflag:s8] =	ssyncset.done $0x0  }
.LBB2_1:
0x1c: {  	p0 =	sne.s32 s10, $0x1;
	s10 =	sadd.s32 $0xFFFFFFFF, s10;
	[sflag:s8] =	ssyncadd.s32 $0xFFFF0000  }
0x1d: {  	[tilespmem:s3], [sflag:$0x2] =	stream.linear.gather [hbm4b:s1+s3], $0x10000, $0x38;
	[tilespmem:$0x10000] =	vst v63  }
0x1e: {  	_ =	swait.ge [sflag:s4], $0x10000  }
0x1f: {  	[sflag:s4] =	ssyncset.done $0x0  }
0x20: {  	[sflag:s4] =	ssyncadd.s32 $0xFFFF0000  }
0x21: {  	[hbm4b:s5+s3] =	stream.linear.scatter [tilespmem:s3], [sflag:$0x1], $0x10000, $0x38;
	[tilespmem:$0x10000] =	vst v63  }
0x22: {  	_ = 	snop  }
0x23: {  	[hbm4b:s6+s3] =	stream.linear.scatter [tilespmem:s3], [sflag:$0x1], $0x10000, $0x38;
	[tilespmem:$0x10000] =	vst v63  }
0x24: {  	_ = 	snop  }
0x25: {  	[hbm4b:s7+s3] =	stream.linear.scatter [tilespmem:s3], [sflag:$0x1], $0x10000, $0x38;
	[tilespmem:$0x10000] =	vst v63  }
0x26: {  	_ = 	snop  }
0x27: {  	[hbm4b:s9+s3] =	stream.linear.scatter [tilespmem:s3], [sflag:$0x1], $0x10000, $0x38;
	[tilespmem:$0x10000] =	vst v63  }
0x28: {  	_ =	swait.ge [sflag:s8], $0x10000  }
0x29: {  	[sflag:s8] =	ssyncset.done $0x0  }
0x2a: {  	[sflag:s8] =	ssyncadd.s32 $0xFFFF0000  }
0x2b: {  	_ =	swait.ge [sflag:s8], $0x10000  }
0x2c: {  	[sflag:s8] =	ssyncset.done $0x0  }
0x2d: {  	[sflag:s8] =	ssyncadd.s32 $0xFFFF0000  }
.Ltmp1:
0x2e: {  	_ =	swait.ge [sflag:s8], $0x10000;
	(pc) =	sbr.rel @p0 .LBB2_1-.Ltmp1, $4  }
0x2f: {  	[sflag:s8] =	ssyncset.done $0x0  }
0x30: {  	[sflag:s8] =	ssyncadd.s32 $0xFFFF0000  }
0x31: {  	_ =	swait.ge [sflag:s8], $0x10000  }
0x32: {  	[sflag:s8] =	ssyncset.done $0x0  }
.LBB2_2:
0x33: {  	[sflag:s8] =	ssyncadd.s32 $0xFFFF0000  }
0x34: {  	_ =	sfence.sel $0x180000  }
0x35: {  	[bflag:$0x0] =	sbarrier.arrive $0xFFFF  }
0x36: {  	p0 =	sne.s32 s2, $0x0;
	_ =	strace $0x90000047  }
0x37: {  	s0 =	sadd.s32 @!p0 $0x100000, s0;
	[bflag:$0x2] =	sbarrier.arrive $0xFFFF  }
0x38: {  	[sflag:s0] =	ssyncadd.tile.s32 @!p0 $0x1;
	_ =	shalt  }
.Lfunc_end2:
_tile_overlayer_lowered:
.L_overlay_start_2:
0x39: {  	(tag) =	ssettag $0x2  }
0x3a: {  	s0 =	rddreg [dreg:$0x0];
	s2 =	stileid.u32  }
0x3b: {  	s1 =	rddreg [dreg:$0x1];
	p0 =	sne.s32 s2, $0x0  }
0x3c: {  	s3 =	rddreg [dreg:$0x2];
	[bflag:$0x3] =	sbarrier.arrive $0xFFFF;
	s2 =	simm.s32 @!p0 $0x1C02  }
0x3d: {  	[timem:s3], [sflag:s2] =	dma.local @!p0 [hbm:s0], s1  }
0x3e: {  	s0 =	simm.s32 @!p0 $0x2  }
0x3f: {  	_ =	swait.ge @!p0 [sflag:s0], s1  }
0x40: {  	s1 =	ssub.s32 @!p0 $0x0, s1;
	[sflag:s0] =	ssyncset.done @!p0 $0x0  }
0x41: {  	[sflag:s0] =	ssyncadd.s32 @!p0 s1  }
0x42: {  	[bflag:$0x3] =	sbarrier.arrive $0xFFFF  }
0x43: {  	_ =	shalt  }

</sc_bundles>
